<compile_context>
chip_gen: v7x
topology: tpu7x:2x2x1
jax: 0.10.2.dev20260603
libtpu: 0.0.44.dev20260713+nightly
codegen_flags: <defaults>
</compile_context>

<pallas_src>
import functools

import jax
import jax.numpy as jnp
from jax import lax
from jax.experimental import pallas as pl
from jax.experimental.pallas import tpu as pltpu
from jax.experimental.pallas import tpu_sc as plsc

_NC = 2
_NS = 16
_L = 16
_NW = _NC * _NS


def _make_sc_kernel(total):
    per_w = total // _NW
    nvec = per_w // _L
    mesh = plsc.VectorSubcoreMesh(core_axis_name="c", subcore_axis_name="s")

    @functools.partial(
        pl.kernel,
        out_type=jax.ShapeDtypeStruct((total,), jnp.float32),
        mesh=mesh,
        scratch_types=[pltpu.VMEM((per_w,), jnp.float32)],
    )
    def k(x_hbm, o_hbm, buf):
        wid = lax.axis_index("s") * _NC + lax.axis_index("c")
        base = wid * per_w
        pltpu.sync_copy(x_hbm.at[pl.ds(base, per_w)], buf)
        for i in range(nvec):
            sl = pl.ds(i * _L, _L)
            buf[sl] = buf[sl] * 32.0 + 64.0
        pltpu.sync_copy(buf, o_hbm.at[pl.ds(base, per_w)])

    return k


def kernel(input_xyzs):
    xt = input_xyzs.T
    flat = xt.reshape(-1)
    out = _make_sc_kernel(flat.shape[0])(flat)
    return out.reshape(xt.shape).T

# --- scband reference (transcript-rebuilt; emitter-appended) ---
"""Pipeline reference for scband-point-net-plus-plus-88527865905303 (READ-ONLY COPY).

The authoritative reference and input builder live on the scoring server;
editing this copy changes nothing except your own understanding.
"""

import jax, jax.numpy as jnp
import numpy as np

# NOTE: every custom op in this module (PCSample, PCFetch, PCQuery, PCConv2d, PCMax,
# PCConcat) is a stub whose host-side forward is a shape-preserving broadcast add:
#   PCSample(x)            -> x + 1
#   PCFetch(x, idx)        -> x + idx
#   PCQuery(x, qidx)       -> x + qidx
#   PCConv2d(x)            -> x + 1
#   PCMax(x, dim)          -> x + 1
#   PCConcat(a, b)         -> a + b
# The PointNetPlusPlus.forward body is truncated in the source; the reference below
# reconstructs the canonical SSG PointNet++ dataflow (fps -> fetch -> ball_query ->
# 3x conv -> max -> concat, repeated, then global SA with conv2_*) using the exact
# stub semantics above, so the math is faithful to what the stubbed torch module
# would compute.

def setup_inputs(seed: int = 0) -> dict:
    key = jax.random.key(seed)
    input_xyzs = jax.random.normal(key, (4096, 3), dtype=jnp.float32)
    return {"input_xyzs": input_xyzs}


def reference(input_xyzs):
    x = input_xyzs
    # SA layer 0
    fps0 = x + 1.0                      # PCSample (fps0)
    fetch0 = x + fps0                   # PCFetch(x, fps0)
    q0 = x + fps0                       # PCQuery ball_query0
    f = q0 + 1.0                        # conv0_0
    f = f + 1.0                         # conv0_1
    f = f + 1.0                         # conv0_2
    m0 = f + 1.0                        # PCMax
    cat0 = fetch0 + m0                  # PCConcat
    # SA layer 1
    fps1 = cat0 + 1.0                   # PCSample (fps1)
    fetch1 = cat0 + fps1                # PCFetch
    q1 = cat0 + fps1                    # PCQuery ball_query1
    g = q1 + 1.0                        # conv1_0
    g = g + 1.0                         # conv1_1
    g = g + 1.0                         # conv1_2
    m1 = g + 1.0                        # PCMax
    cat1 = fetch1 + m1                  # PCConcat
    # global SA layer
    fps2 = cat1 + 1.0                   # PCSample (fps2)
    fetch2 = cat1 + fps2                # PCFetch
    h = fetch2 + 1.0                    # conv2_0
    h = h + 1.0                         # conv2_1
    m2 = h + 1.0                        # PCMax
    return m2

if __name__ == "__main__":
    import jax
    _d = setup_inputs()
    print(jax.jit(kernel)(*tuple(_d.values())))

</pallas_src>

<mosaic_0001>
#map = affine_map<(d0, d1) -> (0)>
module attributes {stable_mosaic.version = 14 : i64} {
  func.func @k(%arg0: i32, %arg1: i32, %arg2: memref<12288xf32, #tpu.memory_space<hbm>>, %arg3: memref<12288xf32, #tpu.memory_space<hbm>>, %arg4: memref<384xf32, #tpu.memory_space<vmem>>) attributes {dimension_semantics = [#tpu.dimension_semantics<core_parallel>, #tpu.dimension_semantics<subcore_parallel>], iteration_bounds = array<i64: 2, 16>, scalar_prefetch = 0 : i64, scratch_operands = 1 : i64, tpu.core_type = #tpu.core_type<sc_vector_subcore>, window_params = [{transform_indices = #map}, {transform_indices = #map}]} {
    %mul3A = arith.constant 2 : i32
    %mul3A_0 = arith.muli %arg1, %mul3A : i32
    %add3A = arith.addi %mul3A_0, %arg0 : i32
    %mul3A_1 = arith.constant 384 : i32
    %mul3A_2 = arith.muli %add3A, %mul3A_1 : i32
    "tpu.region"() ({
      %run_scoped3A = tpu.sem_alloc : memref<!tpu.dma_semaphore, #tpu.memory_space<semaphore_mem>>
      %dma_start3A = tpu.memref_slice %arg2[%mul3A_2] : memref<12288xf32, #tpu.memory_space<hbm>> -> memref<384xf32, #tpu.memory_space<hbm>>
      %dma_start3A_313 = tpu.memref_slice %arg2[%mul3A_2] : memref<12288xf32, #tpu.memory_space<hbm>> -> memref<384xf32, #tpu.memory_space<hbm>>
      tpu.enqueue_dma source(%dma_start3A_313 : memref<384xf32, #tpu.memory_space<hbm>>) target(%arg4 : memref<384xf32, #tpu.memory_space<vmem>>) target_semaphore(%run_scoped3A : memref<!tpu.dma_semaphore, #tpu.memory_space<semaphore_mem>>)
      %dma_wait3A = tpu.memref_slice %arg2[%mul3A_2] : memref<12288xf32, #tpu.memory_space<hbm>> -> memref<384xf32, #tpu.memory_space<hbm>>
      %dma_wait3A_314 = tpu.memref_slice %arg2[%mul3A_2] : memref<12288xf32, #tpu.memory_space<hbm>> -> memref<384xf32, #tpu.memory_space<hbm>>
      tpu.wait_dma2 semaphore(%run_scoped3A : memref<!tpu.dma_semaphore, #tpu.memory_space<semaphore_mem>>) src(%dma_wait3A_314 : memref<384xf32, #tpu.memory_space<hbm>>) dst(%arg4 : memref<384xf32, #tpu.memory_space<vmem>>)
      tpu.yield
    }) : () -> ()
    %get3A = arith.constant 0 : index
    %get3A_3 = tpu.vector_load %arg4[%get3A] {strides = array<i32>} : memref<384xf32, #tpu.memory_space<vmem>>, vector<16xf32>,
    %get3A_4 = vector.shape_cast %get3A_3 : vector<16xf32> to vector<16xf32>
    %mul3A_5 = arith.constant 3.200000e+01 : f32
    %mul3A_6 = vector.broadcast %mul3A_5 : f32 to vector<16xf32>
    %mul3A_7 = arith.mulf %get3A_4, %mul3A_6 : vector<16xf32>
    %add3A_8 = arith.constant 6.400000e+01 : f32
    %add3A_9 = vector.broadcast %add3A_8 : f32 to vector<16xf32>
    %add3A_10 = arith.addf %mul3A_7, %add3A_9 : vector<16xf32>
    %swap3A = arith.constant 0 : index
    %swap3A_11 = tpu.vector_load %arg4[%swap3A] {strides = array<i32>} : memref<384xf32, #tpu.memory_space<vmem>>, vector<16xf32>,
    %swap3A_12 = vector.shape_cast %swap3A_11 : vector<16xf32> to vector<16xf32>
    %swap3A_13 = vector.shape_cast %add3A_10 : vector<16xf32> to vector<16xf32>
    tpu.vector_store %arg4[%swap3A], %swap3A_13 {strides = array<i32>} : memref<384xf32, #tpu.memory_space<vmem>>, vector<16xf32>,
    %get3A_14 = arith.constant 16 : index
    %get3A_15 = tpu.vector_load %arg4[%get3A_14] {strides = array<i32>} : memref<384xf32, #tpu.memory_space<vmem>>, vector<16xf32>,
    %get3A_16 = vector.shape_cast %get3A_15 : vector<16xf32> to vector<16xf32>
    %mul3A_17 = arith.constant 3.200000e+01 : f32
    %mul3A_18 = vector.broadcast %mul3A_17 : f32 to vector<16xf32>
    %mul3A_19 = arith.mulf %get3A_16, %mul3A_18 : vector<16xf32>
    %add3A_20 = arith.constant 6.400000e+01 : f32
    %add3A_21 = vector.broadcast %add3A_20 : f32 to vector<16xf32>
    %add3A_22 = arith.addf %mul3A_19, %add3A_21 : vector<16xf32>
    %swap3A_23 = arith.constant 16 : index
    %swap3A_24 = tpu.vector_load %arg4[%swap3A_23] {strides = array<i32>} : memref<384xf32, #tpu.memory_space<vmem>>, vector<16xf32>,
    %swap3A_25 = vector.shape_cast %swap3A_24 : vector<16xf32> to vector<16xf32>
    %swap3A_26 = vector.shape_cast %add3A_22 : vector<16xf32> to vector<16xf32>
    tpu.vector_store %arg4[%swap3A_23], %swap3A_26 {strides = array<i32>} : memref<384xf32, #tpu.memory_space<vmem>>, vector<16xf32>,
    %get3A_27 = arith.constant 32 : index
    %get3A_28 = tpu.vector_load %arg4[%get3A_27] {strides = array<i32>} : memref<384xf32, #tpu.memory_space<vmem>>, vector<16xf32>,
    %get3A_29 = vector.shape_cast %get3A_28 : vector<16xf32> to vector<16xf32>
    %mul3A_30 = arith.constant 3.200000e+01 : f32
    %mul3A_31 = vector.broadcast %mul3A_30 : f32 to vector<16xf32>
    %mul3A_32 = arith.mulf %get3A_29, %mul3A_31 : vector<16xf32>
    %add3A_33 = arith.constant 6.400000e+01 : f32
    %add3A_34 = vector.broadcast %add3A_33 : f32 to vector<16xf32>
    %add3A_35 = arith.addf %mul3A_32, %add3A_34 : vector<16xf32>
    %swap3A_36 = arith.constant 32 : index
    %swap3A_37 = tpu.vector_load %arg4[%swap3A_36] {strides = array<i32>} : memref<384xf32, #tpu.memory_space<vmem>>, vector<16xf32>,
    %swap3A_38 = vector.shape_cast %swap3A_37 : vector<16xf32> to vector<16xf32>
    %swap3A_39 = vector.shape_cast %add3A_35 : vector<16xf32> to vector<16xf32>
    tpu.vector_store %arg4[%swap3A_36], %swap3A_39 {strides = array<i32>} : memref<384xf32, #tpu.memory_space<vmem>>, vector<16xf32>,
    %get3A_40 = arith.constant 48 : index
    %get3A_41 = tpu.vector_load %arg4[%get3A_40] {strides = array<i32>} : memref<384xf32, #tpu.memory_space<vmem>>, vector<16xf32>,
    %get3A_42 = vector.shape_cast %get3A_41 : vector<16xf32> to vector<16xf32>
    %mul3A_43 = arith.constant 3.200000e+01 : f32
    %mul3A_44 = vector.broadcast %mul3A_43 : f32 to vector<16xf32>
    %mul3A_45 = arith.mulf %get3A_42, %mul3A_44 : vector<16xf32>
    %add3A_46 = arith.constant 6.400000e+01 : f32
    %add3A_47 = vector.broadcast %add3A_46 : f32 to vector<16xf32>
    %add3A_48 = arith.addf %mul3A_45, %add3A_47 : vector<16xf32>
    %swap3A_49 = arith.constant 48 : index
    %swap3A_50 = tpu.vector_load %arg4[%swap3A_49] {strides = array<i32>} : memref<384xf32, #tpu.memory_space<vmem>>, vector<16xf32>,
    %swap3A_51 = vector.shape_cast %swap3A_50 : vector<16xf32> to vector<16xf32>
    %swap3A_52 = vector.shape_cast %add3A_48 : vector<16xf32> to vector<16xf32>
    tpu.vector_store %arg4[%swap3A_49], %swap3A_52 {strides = array<i32>} : memref<384xf32, #tpu.memory_space<vmem>>, vector<16xf32>,
    %get3A_53 = arith.constant 64 : index
    %get3A_54 = tpu.vector_load %arg4[%get3A_53] {strides = array<i32>} : memref<384xf32, #tpu.memory_space<vmem>>, vector<16xf32>,
    %get3A_55 = vector.shape_cast %get3A_54 : vector<16xf32> to vector<16xf32>
    %mul3A_56 = arith.constant 3.200000e+01 : f32
    %mul3A_57 = vector.broadcast %mul3A_56 : f32 to vector<16xf32>
    %mul3A_58 = arith.mulf %get3A_55, %mul3A_57 : vector<16xf32>
    %add3A_59 = arith.constant 6.400000e+01 : f32
    %add3A_60 = vector.broadcast %add3A_59 : f32 to vector<16xf32>
    %add3A_61 = arith.addf %mul3A_58, %add3A_60 : vector<16xf32>
    %swap3A_62 = arith.constant 64 : index
    %swap3A_63 = tpu.vector_load %arg4[%swap3A_62] {strides = array<i32>} : memref<384xf32, #tpu.memory_space<vmem>>, vector<16xf32>,
    %swap3A_64 = vector.shape_cast %swap3A_63 : vector<16xf32> to vector<16xf32>
    %swap3A_65 = vector.shape_cast %add3A_61 : vector<16xf32> to vector<16xf32>
    tpu.vector_store %arg4[%swap3A_62], %swap3A_65 {strides = array<i32>} : memref<384xf32, #tpu.memory_space<vmem>>, vector<16xf32>,
    %get3A_66 = arith.constant 80 : index
    %get3A_67 = tpu.vector_load %arg4[%get3A_66] {strides = array<i32>} : memref<384xf32, #tpu.memory_space<vmem>>, vector<16xf32>,
    %get3A_68 = vector.shape_cast %get3A_67 : vector<16xf32> to vector<16xf32>
    %mul3A_69 = arith.constant 3.200000e+01 : f32
    %mul3A_70 = vector.broadcast %mul3A_69 : f32 to vector<16xf32>
    %mul3A_71 = arith.mulf %get3A_68, %mul3A_70 : vector<16xf32>
    %add3A_72 = arith.constant 6.400000e+01 : f32
    %add3A_73 = vector.broadcast %add3A_72 : f32 to vector<16xf32>
    %add3A_74 = arith.addf %mul3A_71, %add3A_73 : vector<16xf32>
    %swap3A_75 = arith.constant 80 : index
    %swap3A_76 = tpu.vector_load %arg4[%swap3A_75] {strides = array<i32>} : memref<384xf32, #tpu.memory_space<vmem>>, vector<16xf32>,
    %swap3A_77 = vector.shape_cast %swap3A_76 : vector<16xf32> to vector<16xf32>
    %swap3A_78 = vector.shape_cast %add3A_74 : vector<16xf32> to vector<16xf32>
    tpu.vector_store %arg4[%swap3A_75], %swap3A_78 {strides = array<i32>} : memref<384xf32, #tpu.memory_space<vmem>>, vector<16xf32>,
    %get3A_79 = arith.constant 96 : index
    %get3A_80 = tpu.vector_load %arg4[%get3A_79] {strides = array<i32>} : memref<384xf32, #tpu.memory_space<vmem>>, vector<16xf32>,
    %get3A_81 = vector.shape_cast %get3A_80 : vector<16xf32> to vector<16xf32>
    %mul3A_82 = arith.constant 3.200000e+01 : f32
    %mul3A_83 = vector.broadcast %mul3A_82 : f32 to vector<16xf32>
    %mul3A_84 = arith.mulf %get3A_81, %mul3A_83 : vector<16xf32>
    %add3A_85 = arith.constant 6.400000e+01 : f32
    %add3A_86 = vector.broadcast %add3A_85 : f32 to vector<16xf32>
    %add3A_87 = arith.addf %mul3A_84, %add3A_86 : vector<16xf32>
    %swap3A_88 = arith.constant 96 : index
    %swap3A_89 = tpu.vector_load %arg4[%swap3A_88] {strides = array<i32>} : memref<384xf32, #tpu.memory_space<vmem>>, vector<16xf32>,
    %swap3A_90 = vector.shape_cast %swap3A_89 : vector<16xf32> to vector<16xf32>
    %swap3A_91 = vector.shape_cast %add3A_87 : vector<16xf32> to vector<16xf32>
    tpu.vector_store %arg4[%swap3A_88], %swap3A_91 {strides = array<i32>} : memref<384xf32, #tpu.memory_space<vmem>>, vector<16xf32>,
    %get3A_92 = arith.constant 112 : index
    %get3A_93 = tpu.vector_load %arg4[%get3A_92] {strides = array<i32>} : memref<384xf32, #tpu.memory_space<vmem>>, vector<16xf32>,
    %get3A_94 = vector.shape_cast %get3A_93 : vector<16xf32> to vector<16xf32>
    %mul3A_95 = arith.constant 3.200000e+01 : f32
    %mul3A_96 = vector.broadcast %mul3A_95 : f32 to vector<16xf32>
    %mul3A_97 = arith.mulf %get3A_94, %mul3A_96 : vector<16xf32>
    %add3A_98 = arith.constant 6.400000e+01 : f32
    %add3A_99 = vector.broadcast %add3A_98 : f32 to vector<16xf32>
    %add3A_100 = arith.addf %mul3A_97, %add3A_99 : vector<16xf32>
    %swap3A_101 = arith.constant 112 : index
    %swap3A_102 = tpu.vector_load %arg4[%swap3A_101] {strides = array<i32>} : memref<384xf32, #tpu.memory_space<vmem>>, vector<16xf32>,
    %swap3A_103 = vector.shape_cast %swap3A_102 : vector<16xf32> to vector<16xf32>
    %swap3A_104 = vector.shape_cast %add3A_100 : vector<16xf32> to vector<16xf32>
    tpu.vector_store %arg4[%swap3A_101], %swap3A_104 {strides = array<i32>} : memref<384xf32, #tpu.memory_space<vmem>>, vector<16xf32>,
    %get3A_105 = arith.constant 128 : index
    %get3A_106 = tpu.vector_load %arg4[%get3A_105] {strides = array<i32>} : memref<384xf32, #tpu.memory_space<vmem>>, vector<16xf32>,
    %get3A_107 = vector.shape_cast %get3A_106 : vector<16xf32> to vector<16xf32>
    %mul3A_108 = arith.constant 3.200000e+01 : f32
    %mul3A_109 = vector.broadcast %mul3A_108 : f32 to vector<16xf32>
    %mul3A_110 = arith.mulf %get3A_107, %mul3A_109 : vector<16xf32>
    %add3A_111 = arith.constant 6.400000e+01 : f32
    %add3A_112 = vector.broadcast %add3A_111 : f32 to vector<16xf32>
    %add3A_113 = arith.addf %mul3A_110, %add3A_112 : vector<16xf32>
    %swap3A_114 = arith.constant 128 : index
    %swap3A_115 = tpu.vector_load %arg4[%swap3A_114] {strides = array<i32>} : memref<384xf32, #tpu.memory_space<vmem>>, vector<16xf32>,
    %swap3A_116 = vector.shape_cast %swap3A_115 : vector<16xf32> to vector<16xf32>
    %swap3A_117 = vector.shape_cast %add3A_113 : vector<16xf32> to vector<16xf32>
    tpu.vector_store %arg4[%swap3A_114], %swap3A_117 {strides = array<i32>} : memref<384xf32, #tpu.memory_space<vmem>>, vector<16xf32>,
    %get3A_118 = arith.constant 144 : index
    %get3A_119 = tpu.vector_load %arg4[%get3A_118] {strides = array<i32>} : memref<384xf32, #tpu.memory_space<vmem>>, vector<16xf32>,
    %get3A_120 = vector.shape_cast %get3A_119 : vector<16xf32> to vector<16xf32>
    %mul3A_121 = arith.constant 3.200000e+01 : f32
    %mul3A_122 = vector.broadcast %mul3A_121 : f32 to vector<16xf32>
    %mul3A_123 = arith.mulf %get3A_120, %mul3A_122 : vector<16xf32>
    %add3A_124 = arith.constant 6.400000e+01 : f32
    %add3A_125 = vector.broadcast %add3A_124 : f32 to vector<16xf32>
    %add3A_126 = arith.addf %mul3A_123, %add3A_125 : vector<16xf32>
    %swap3A_127 = arith.constant 144 : index
    %swap3A_128 = tpu.vector_load %arg4[%swap3A_127] {strides = array<i32>} : memref<384xf32, #tpu.memory_space<vmem>>, vector<16xf32>,
    %swap3A_129 = vector.shape_cast %swap3A_128 : vector<16xf32> to vector<16xf32>
    %swap3A_130 = vector.shape_cast %add3A_126 : vector<16xf32> to vector<16xf32>
    tpu.vector_store %arg4[%swap3A_127], %swap3A_130 {strides = array<i32>} : memref<384xf32, #tpu.memory_space<vmem>>, vector<16xf32>,
    %get3A_131 = arith.constant 160 : index
    %get3A_132 = tpu.vector_load %arg4[%get3A_131] {strides = array<i32>} : memref<384xf32, #tpu.memory_space<vmem>>, vector<16xf32>,
    %get3A_133 = vector.shape_cast %get3A_132 : vector<16xf32> to vector<16xf32>
    %mul3A_134 = arith.constant 3.200000e+01 : f32
    %mul3A_135 = vector.broadcast %mul3A_134 : f32 to vector<16xf32>
    %mul3A_136 = arith.mulf %get3A_133, %mul3A_135 : vector<16xf32>
    %add3A_137 = arith.constant 6.400000e+01 : f32
    %add3A_138 = vector.broadcast %add3A_137 : f32 to vector<16xf32>
    %add3A_139 = arith.addf %mul3A_136, %add3A_138 : vector<16xf32>
    %swap3A_140 = arith.constant 160 : index
    %swap3A_141 = tpu.vector_load %arg4[%swap3A_140] {strides = array<i32>} : memref<384xf32, #tpu.memory_space<vmem>>, vector<16xf32>,
    %swap3A_142 = vector.shape_cast %swap3A_141 : vector<16xf32> to vector<16xf32>
    %swap3A_143 = vector.shape_cast %add3A_139 : vector<16xf32> to vector<16xf32>
    tpu.vector_store %arg4[%swap3A_140], %swap3A_143 {strides = array<i32>} : memref<384xf32, #tpu.memory_space<vmem>>, vector<16xf32>,
    %get3A_144 = arith.constant 176 : index
    %get3A_145 = tpu.vector_load %arg4[%get3A_144] {strides = array<i32>} : memref<384xf32, #tpu.memory_space<vmem>>, vector<16xf32>,
    %get3A_146 = vector.shape_cast %get3A_145 : vector<16xf32> to vector<16xf32>
    %mul3A_147 = arith.constant 3.200000e+01 : f32
    %mul3A_148 = vector.broadcast %mul3A_147 : f32 to vector<16xf32>
    %mul3A_149 = arith.mulf %get3A_146, %mul3A_148 : vector<16xf32>
    %add3A_150 = arith.constant 6.400000e+01 : f32
    %add3A_151 = vector.broadcast %add3A_150 : f32 to vector<16xf32>
    %add3A_152 = arith.addf %mul3A_149, %add3A_151 : vector<16xf32>
    %swap3A_153 = arith.constant 176 : index
    %swap3A_154 = tpu.vector_load %arg4[%swap3A_153] {strides = array<i32>} : memref<384xf32, #tpu.memory_space<vmem>>, vector<16xf32>,
    %swap3A_155 = vector.shape_cast %swap3A_154 : vector<16xf32> to vector<16xf32>
    %swap3A_156 = vector.shape_cast %add3A_152 : vector<16xf32> to vector<16xf32>
    tpu.vector_store %arg4[%swap3A_153], %swap3A_156 {strides = array<i32>} : memref<384xf32, #tpu.memory_space<vmem>>, vector<16xf32>,
    %get3A_157 = arith.constant 192 : index
    %get3A_158 = tpu.vector_load %arg4[%get3A_157] {strides = array<i32>} : memref<384xf32, #tpu.memory_space<vmem>>, vector<16xf32>,
    %get3A_159 = vector.shape_cast %get3A_158 : vector<16xf32> to vector<16xf32>
    %mul3A_160 = arith.constant 3.200000e+01 : f32
    %mul3A_161 = vector.broadcast %mul3A_160 : f32 to vector<16xf32>
    %mul3A_162 = arith.mulf %get3A_159, %mul3A_161 : vector<16xf32>
    %add3A_163 = arith.constant 6.400000e+01 : f32
    %add3A_164 = vector.broadcast %add3A_163 : f32 to vector<16xf32>
    %add3A_165 = arith.addf %mul3A_162, %add3A_164 : vector<16xf32>
    %swap3A_166 = arith.constant 192 : index
    %swap3A_167 = tpu.vector_load %arg4[%swap3A_166] {strides = array<i32>} : memref<384xf32, #tpu.memory_space<vmem>>, vector<16xf32>,
    %swap3A_168 = vector.shape_cast %swap3A_167 : vector<16xf32> to vector<16xf32>
    %swap3A_169 = vector.shape_cast %add3A_165 : vector<16xf32> to vector<16xf32>
    tpu.vector_store %arg4[%swap3A_166], %swap3A_169 {strides = array<i32>} : memref<384xf32, #tpu.memory_space<vmem>>, vector<16xf32>,
    %get3A_170 = arith.constant 208 : index
    %get3A_171 = tpu.vector_load %arg4[%get3A_170] {strides = array<i32>} : memref<384xf32, #tpu.memory_space<vmem>>, vector<16xf32>,
    %get3A_172 = vector.shape_cast %get3A_171 : vector<16xf32> to vector<16xf32>
    %mul3A_173 = arith.constant 3.200000e+01 : f32
    %mul3A_174 = vector.broadcast %mul3A_173 : f32 to vector<16xf32>
    %mul3A_175 = arith.mulf %get3A_172, %mul3A_174 : vector<16xf32>
    %add3A_176 = arith.constant 6.400000e+01 : f32
    %add3A_177 = vector.broadcast %add3A_176 : f32 to vector<16xf32>
    %add3A_178 = arith.addf %mul3A_175, %add3A_177 : vector<16xf32>
    %swap3A_179 = arith.constant 208 : index
    %swap3A_180 = tpu.vector_load %arg4[%swap3A_179] {strides = array<i32>} : memref<384xf32, #tpu.memory_space<vmem>>, vector<16xf32>,
    %swap3A_181 = vector.shape_cast %swap3A_180 : vector<16xf32> to vector<16xf32>
    %swap3A_182 = vector.shape_cast %add3A_178 : vector<16xf32> to vector<16xf32>
    tpu.vector_store %arg4[%swap3A_179], %swap3A_182 {strides = array<i32>} : memref<384xf32, #tpu.memory_space<vmem>>, vector<16xf32>,
    %get3A_183 = arith.constant 224 : index
    %get3A_184 = tpu.vector_load %arg4[%get3A_183] {strides = array<i32>} : memref<384xf32, #tpu.memory_space<vmem>>, vector<16xf32>,
    %get3A_185 = vector.shape_cast %get3A_184 : vector<16xf32> to vector<16xf32>
    %mul3A_186 = arith.constant 3.200000e+01 : f32
    %mul3A_187 = vector.broadcast %mul3A_186 : f32 to vector<16xf32>
    %mul3A_188 = arith.mulf %get3A_185, %mul3A_187 : vector<16xf32>
    %add3A_189 = arith.constant 6.400000e+01 : f32
    %add3A_190 = vector.broadcast %add3A_189 : f32 to vector<16xf32>
    %add3A_191 = arith.addf %mul3A_188, %add3A_190 : vector<16xf32>
    %swap3A_192 = arith.constant 224 : index
    %swap3A_193 = tpu.vector_load %arg4[%swap3A_192] {strides = array<i32>} : memref<384xf32, #tpu.memory_space<vmem>>, vector<16xf32>,
    %swap3A_194 = vector.shape_cast %swap3A_193 : vector<16xf32> to vector<16xf32>
    %swap3A_195 = vector.shape_cast %add3A_191 : vector<16xf32> to vector<16xf32>
    tpu.vector_store %arg4[%swap3A_192], %swap3A_195 {strides = array<i32>} : memref<384xf32, #tpu.memory_space<vmem>>, vector<16xf32>,
    %get3A_196 = arith.constant 240 : index
    %get3A_197 = tpu.vector_load %arg4[%get3A_196] {strides = array<i32>} : memref<384xf32, #tpu.memory_space<vmem>>, vector<16xf32>,
    %get3A_198 = vector.shape_cast %get3A_197 : vector<16xf32> to vector<16xf32>
    %mul3A_199 = arith.constant 3.200000e+01 : f32
    %mul3A_200 = vector.broadcast %mul3A_199 : f32 to vector<16xf32>
    %mul3A_201 = arith.mulf %get3A_198, %mul3A_200 : vector<16xf32>
    %add3A_202 = arith.constant 6.400000e+01 : f32
    %add3A_203 = vector.broadcast %add3A_202 : f32 to vector<16xf32>
    %add3A_204 = arith.addf %mul3A_201, %add3A_203 : vector<16xf32>
    %swap3A_205 = arith.constant 240 : index
    %swap3A_206 = tpu.vector_load %arg4[%swap3A_205] {strides = array<i32>} : memref<384xf32, #tpu.memory_space<vmem>>, vector<16xf32>,
    %swap3A_207 = vector.shape_cast %swap3A_206 : vector<16xf32> to vector<16xf32>
    %swap3A_208 = vector.shape_cast %add3A_204 : vector<16xf32> to vector<16xf32>
    tpu.vector_store %arg4[%swap3A_205], %swap3A_208 {strides = array<i32>} : memref<384xf32, #tpu.memory_space<vmem>>, vector<16xf32>,
    %get3A_209 = arith.constant 256 : index
    %get3A_210 = tpu.vector_load %arg4[%get3A_209] {strides = array<i32>} : memref<384xf32, #tpu.memory_space<vmem>>, vector<16xf32>,
    %get3A_211 = vector.shape_cast %get3A_210 : vector<16xf32> to vector<16xf32>
    %mul3A_212 = arith.constant 3.200000e+01 : f32
    %mul3A_213 = vector.broadcast %mul3A_212 : f32 to vector<16xf32>
    %mul3A_214 = arith.mulf %get3A_211, %mul3A_213 : vector<16xf32>
    %add3A_215 = arith.constant 6.400000e+01 : f32
    %add3A_216 = vector.broadcast %add3A_215 : f32 to vector<16xf32>
    %add3A_217 = arith.addf %mul3A_214, %add3A_216 : vector<16xf32>
    %swap3A_218 = arith.constant 256 : index
    %swap3A_219 = tpu.vector_load %arg4[%swap3A_218] {strides = array<i32>} : memref<384xf32, #tpu.memory_space<vmem>>, vector<16xf32>,
    %swap3A_220 = vector.shape_cast %swap3A_219 : vector<16xf32> to vector<16xf32>
    %swap3A_221 = vector.shape_cast %add3A_217 : vector<16xf32> to vector<16xf32>
    tpu.vector_store %arg4[%swap3A_218], %swap3A_221 {strides = array<i32>} : memref<384xf32, #tpu.memory_space<vmem>>, vector<16xf32>,
    %get3A_222 = arith.constant 272 : index
    %get3A_223 = tpu.vector_load %arg4[%get3A_222] {strides = array<i32>} : memref<384xf32, #tpu.memory_space<vmem>>, vector<16xf32>,
    %get3A_224 = vector.shape_cast %get3A_223 : vector<16xf32> to vector<16xf32>
    %mul3A_225 = arith.constant 3.200000e+01 : f32
    %mul3A_226 = vector.broadcast %mul3A_225 : f32 to vector<16xf32>
    %mul3A_227 = arith.mulf %get3A_224, %mul3A_226 : vector<16xf32>
    %add3A_228 = arith.constant 6.400000e+01 : f32
    %add3A_229 = vector.broadcast %add3A_228 : f32 to vector<16xf32>
    %add3A_230 = arith.addf %mul3A_227, %add3A_229 : vector<16xf32>
    %swap3A_231 = arith.constant 272 : index
    %swap3A_232 = tpu.vector_load %arg4[%swap3A_231] {strides = array<i32>} : memref<384xf32, #tpu.memory_space<vmem>>, vector<16xf32>,
    %swap3A_233 = vector.shape_cast %swap3A_232 : vector<16xf32> to vector<16xf32>
    %swap3A_234 = vector.shape_cast %add3A_230 : vector<16xf32> to vector<16xf32>
    tpu.vector_store %arg4[%swap3A_231], %swap3A_234 {strides = array<i32>} : memref<384xf32, #tpu.memory_space<vmem>>, vector<16xf32>,
    %get3A_235 = arith.constant 288 : index
    %get3A_236 = tpu.vector_load %arg4[%get3A_235] {strides = array<i32>} : memref<384xf32, #tpu.memory_space<vmem>>, vector<16xf32>,
    %get3A_237 = vector.shape_cast %get3A_236 : vector<16xf32> to vector<16xf32>
    %mul3A_238 = arith.constant 3.200000e+01 : f32
    %mul3A_239 = vector.broadcast %mul3A_238 : f32 to vector<16xf32>
    %mul3A_240 = arith.mulf %get3A_237, %mul3A_239 : vector<16xf32>
    %add3A_241 = arith.constant 6.400000e+01 : f32
    %add3A_242 = vector.broadcast %add3A_241 : f32 to vector<16xf32>
    %add3A_243 = arith.addf %mul3A_240, %add3A_242 : vector<16xf32>
    %swap3A_244 = arith.constant 288 : index
    %swap3A_245 = tpu.vector_load %arg4[%swap3A_244] {strides = array<i32>} : memref<384xf32, #tpu.memory_space<vmem>>, vector<16xf32>,
    %swap3A_246 = vector.shape_cast %swap3A_245 : vector<16xf32> to vector<16xf32>
    %swap3A_247 = vector.shape_cast %add3A_243 : vector<16xf32> to vector<16xf32>
    tpu.vector_store %arg4[%swap3A_244], %swap3A_247 {strides = array<i32>} : memref<384xf32, #tpu.memory_space<vmem>>, vector<16xf32>,
    %get3A_248 = arith.constant 304 : index
    %get3A_249 = tpu.vector_load %arg4[%get3A_248] {strides = array<i32>} : memref<384xf32, #tpu.memory_space<vmem>>, vector<16xf32>,
    %get3A_250 = vector.shape_cast %get3A_249 : vector<16xf32> to vector<16xf32>
    %mul3A_251 = arith.constant 3.200000e+01 : f32
    %mul3A_252 = vector.broadcast %mul3A_251 : f32 to vector<16xf32>
    %mul3A_253 = arith.mulf %get3A_250, %mul3A_252 : vector<16xf32>
    %add3A_254 = arith.constant 6.400000e+01 : f32
    %add3A_255 = vector.broadcast %add3A_254 : f32 to vector<16xf32>
    %add3A_256 = arith.addf %mul3A_253, %add3A_255 : vector<16xf32>
    %swap3A_257 = arith.constant 304 : index
    %swap3A_258 = tpu.vector_load %arg4[%swap3A_257] {strides = array<i32>} : memref<384xf32, #tpu.memory_space<vmem>>, vector<16xf32>,
    %swap3A_259 = vector.shape_cast %swap3A_258 : vector<16xf32> to vector<16xf32>
    %swap3A_260 = vector.shape_cast %add3A_256 : vector<16xf32> to vector<16xf32>
    tpu.vector_store %arg4[%swap3A_257], %swap3A_260 {strides = array<i32>} : memref<384xf32, #tpu.memory_space<vmem>>, vector<16xf32>,
    %get3A_261 = arith.constant 320 : index
    %get3A_262 = tpu.vector_load %arg4[%get3A_261] {strides = array<i32>} : memref<384xf32, #tpu.memory_space<vmem>>, vector<16xf32>,
    %get3A_263 = vector.shape_cast %get3A_262 : vector<16xf32> to vector<16xf32>
    %mul3A_264 = arith.constant 3.200000e+01 : f32
    %mul3A_265 = vector.broadcast %mul3A_264 : f32 to vector<16xf32>
    %mul3A_266 = arith.mulf %get3A_263, %mul3A_265 : vector<16xf32>
    %add3A_267 = arith.constant 6.400000e+01 : f32
    %add3A_268 = vector.broadcast %add3A_267 : f32 to vector<16xf32>
    %add3A_269 = arith.addf %mul3A_266, %add3A_268 : vector<16xf32>
    %swap3A_270 = arith.constant 320 : index
    %swap3A_271 = tpu.vector_load %arg4[%swap3A_270] {strides = array<i32>} : memref<384xf32, #tpu.memory_space<vmem>>, vector<16xf32>,
    %swap3A_272 = vector.shape_cast %swap3A_271 : vector<16xf32> to vector<16xf32>
    %swap3A_273 = vector.shape_cast %add3A_269 : vector<16xf32> to vector<16xf32>
    tpu.vector_store %arg4[%swap3A_270], %swap3A_273 {strides = array<i32>} : memref<384xf32, #tpu.memory_space<vmem>>, vector<16xf32>,
    %get3A_274 = arith.constant 336 : index
    %get3A_275 = tpu.vector_load %arg4[%get3A_274] {strides = array<i32>} : memref<384xf32, #tpu.memory_space<vmem>>, vector<16xf32>,
    %get3A_276 = vector.shape_cast %get3A_275 : vector<16xf32> to vector<16xf32>
    %mul3A_277 = arith.constant 3.200000e+01 : f32
    %mul3A_278 = vector.broadcast %mul3A_277 : f32 to vector<16xf32>
    %mul3A_279 = arith.mulf %get3A_276, %mul3A_278 : vector<16xf32>
    %add3A_280 = arith.constant 6.400000e+01 : f32
    %add3A_281 = vector.broadcast %add3A_280 : f32 to vector<16xf32>
    %add3A_282 = arith.addf %mul3A_279, %add3A_281 : vector<16xf32>
    %swap3A_283 = arith.constant 336 : index
    %swap3A_284 = tpu.vector_load %arg4[%swap3A_283] {strides = array<i32>} : memref<384xf32, #tpu.memory_space<vmem>>, vector<16xf32>,
    %swap3A_285 = vector.shape_cast %swap3A_284 : vector<16xf32> to vector<16xf32>
    %swap3A_286 = vector.shape_cast %add3A_282 : vector<16xf32> to vector<16xf32>
    tpu.vector_store %arg4[%swap3A_283], %swap3A_286 {strides = array<i32>} : memref<384xf32, #tpu.memory_space<vmem>>, vector<16xf32>,
    %get3A_287 = arith.constant 352 : index
    %get3A_288 = tpu.vector_load %arg4[%get3A_287] {strides = array<i32>} : memref<384xf32, #tpu.memory_space<vmem>>, vector<16xf32>,
    %get3A_289 = vector.shape_cast %get3A_288 : vector<16xf32> to vector<16xf32>
    %mul3A_290 = arith.constant 3.200000e+01 : f32
    %mul3A_291 = vector.broadcast %mul3A_290 : f32 to vector<16xf32>
    %mul3A_292 = arith.mulf %get3A_289, %mul3A_291 : vector<16xf32>
    %add3A_293 = arith.constant 6.400000e+01 : f32
    %add3A_294 = vector.broadcast %add3A_293 : f32 to vector<16xf32>
    %add3A_295 = arith.addf %mul3A_292, %add3A_294 : vector<16xf32>
    %swap3A_296 = arith.constant 352 : index
    %swap3A_297 = tpu.vector_load %arg4[%swap3A_296] {strides = array<i32>} : memref<384xf32, #tpu.memory_space<vmem>>, vector<16xf32>,
    %swap3A_298 = vector.shape_cast %swap3A_297 : vector<16xf32> to vector<16xf32>
    %swap3A_299 = vector.shape_cast %add3A_295 : vector<16xf32> to vector<16xf32>
    tpu.vector_store %arg4[%swap3A_296], %swap3A_299 {strides = array<i32>} : memref<384xf32, #tpu.memory_space<vmem>>, vector<16xf32>,
    %get3A_300 = arith.constant 368 : index
    %get3A_301 = tpu.vector_load %arg4[%get3A_300] {strides = array<i32>} : memref<384xf32, #tpu.memory_space<vmem>>, vector<16xf32>,
    %get3A_302 = vector.shape_cast %get3A_301 : vector<16xf32> to vector<16xf32>
    %mul3A_303 = arith.constant 3.200000e+01 : f32
    %mul3A_304 = vector.broadcast %mul3A_303 : f32 to vector<16xf32>
    %mul3A_305 = arith.mulf %get3A_302, %mul3A_304 : vector<16xf32>
    %add3A_306 = arith.constant 6.400000e+01 : f32
    %add3A_307 = vector.broadcast %add3A_306 : f32 to vector<16xf32>
    %add3A_308 = arith.addf %mul3A_305, %add3A_307 : vector<16xf32>
    %swap3A_309 = arith.constant 368 : index
    %swap3A_310 = tpu.vector_load %arg4[%swap3A_309] {strides = array<i32>} : memref<384xf32, #tpu.memory_space<vmem>>, vector<16xf32>,
    %swap3A_311 = vector.shape_cast %swap3A_310 : vector<16xf32> to vector<16xf32>
    %swap3A_312 = vector.shape_cast %add3A_308 : vector<16xf32> to vector<16xf32>
    tpu.vector_store %arg4[%swap3A_309], %swap3A_312 {strides = array<i32>} : memref<384xf32, #tpu.memory_space<vmem>>, vector<16xf32>,
    "tpu.region"() ({
      %run_scoped3A = tpu.sem_alloc : memref<!tpu.dma_semaphore, #tpu.memory_space<semaphore_mem>>
      %dma_start3A = tpu.memref_slice %arg3[%mul3A_2] : memref<12288xf32, #tpu.memory_space<hbm>> -> memref<384xf32, #tpu.memory_space<hbm>>
      %dma_start3A_313 = tpu.memref_slice %arg3[%mul3A_2] : memref<12288xf32, #tpu.memory_space<hbm>> -> memref<384xf32, #tpu.memory_space<hbm>>
      tpu.enqueue_dma source(%arg4 : memref<384xf32, #tpu.memory_space<vmem>>) target(%dma_start3A_313 : memref<384xf32, #tpu.memory_space<hbm>>) target_semaphore(%run_scoped3A : memref<!tpu.dma_semaphore, #tpu.memory_space<semaphore_mem>>)
      %dma_wait3A = tpu.memref_slice %arg3[%mul3A_2] : memref<12288xf32, #tpu.memory_space<hbm>> -> memref<384xf32, #tpu.memory_space<hbm>>
      %dma_wait3A_314 = tpu.memref_slice %arg3[%mul3A_2] : memref<12288xf32, #tpu.memory_space<hbm>> -> memref<384xf32, #tpu.memory_space<hbm>>
      tpu.wait_dma2 semaphore(%run_scoped3A : memref<!tpu.dma_semaphore, #tpu.memory_space<semaphore_mem>>) src(%arg4 : memref<384xf32, #tpu.memory_space<vmem>>) dst(%dma_wait3A_314 : memref<384xf32, #tpu.memory_space<hbm>>)
      tpu.yield
    }) : () -> ()
    return
  }
}

</mosaic_0001>

<sc_bundles>
// kernel: kernel.3.cloned.1.call-start
scs
__scs_entry_jumppad:
0x0: {  	(pc) =	sbr.rel $0x88, $3  }
0x1: {  	(tag) =	ssettag $0x0;
	lr =	simm.s32 $0x1  }
0x2: {  	[smem:$0x3FA0] =	sst lr;
	_ =	strace $0xD0000000  }
0x3: {  	_ = 	snop  }
0x4: {  	_ = 	snop  }
0x5: {  	_ = 	snop  }
0x6: {  	_ = 	snop  }
0x7: {  	_ = 	snop  }
__scs_overlays_trampoline_lowered:
0x8: {  	[smem:$0x3FAF] =	sst s0  }
0x9: {  	[smem:$0x3FB0] =	sst s1  }
0xa: {  	[smem:$0x3FB1] =	sst s2  }
0xb: {  	[smem:$0x3FB2] =	sst s3  }
0xc: {  	[smem:$0x3FB3] =	sst s4  }
0xd: {  	[smem:$0x3FB4] =	sst s5  }
0xe: {  	[smem:$0x3FB5] =	sst s6  }
0xf: {  	[smem:$0x3FB6] =	sst s7  }
0x10: {  	[smem:$0x3FB7] =	sst s8  }
0x11: {  	[smem:$0x3FB8] =	sst s9;
	s0 =	simm.s32 @!p0 $0x0  }
0x12: {  	s1 =	sld [smem:$0x3F9E];
	s0 =	simm.s32 @p0 $0x1  }
0x13: {  	[smem:$0x3FB9] =	sst s0;
	s0 =	simm.s32 @!p1 $0x0  }
0x14: {  	s2 =	sld [smem:$0x3F9D];
	s0 =	simm.s32 @p1 $0x1  }
0x15: {  	[smem:$0x3FBA] =	sst s0;
	s0 =	simm.s32 @!p2 $0x0  }
0x16: {  	s3 =	sld [smem:$0x3FDB];
	s0 =	simm.s32 @p2 $0x1  }
0x17: {  	s4 =	simm.s32 $0x1BF5;
	[smem:$0x3FBC] =	sst s0  }
0x18: {  	s0 =	sld [smem:$0x3F9F];
	_ =	swait.ge [sflag:s4], $0x0  }
0x19: {  	s7 =	sld [smem:$0x3FA0]  }
0x1a: {  	s8 =	sadd.s32 $0xFFFFE003, lr  }
0x1b: {  	s9 =	sadd.s32 $0xFFFFFEF7, lr;
	s5 =	simm.s32 $0xFFFFFFFF;
	p2 =	slt.u32 s8, $0xFFFFF086  }
0x1c: {  	p1 =	slt.u32 s9, $0xF7A;
	s5 =	simm.s32 @!p2 $0x0  }
0x1d: {  	s5 =	simm.s32 @p1 $0x1;
	p0 =	seq.s32 s7, s2  }
0x1e: {  	s7 =	smul.u32 @!p0 $0xF7A, s2;
	p2 =	seq.s32 @!p0 s5, $0x0  }
0x1f: {  	s9 =	smul.u32 $0xF7A, s1;
	s8 =	simm.s32 @!p0 $0x1BF5;
	p2 =	por !p2, p0  }
0x20: {  	[sflag:s8] =	ssyncset.s32 @!p0 $0xFFFFF086;
	s6 =	sadd.s32 @!p0 s3, s7;
	s7 =	simm.s32 @!p0 $0x108  }
0x21: {  	s3 =	sadd.s32 s3, s9;
	s6 =	sadd.s32 @!p0 $0x88, s6;
	s7 =	simm.s32 @p2 $0x1082  }
0x22: {  	[simem:s7], [sflag:s8] =	dma.local @!p0 [hbm:s6], $0xF7A  }
0x23: {  	s9 =	sor.u32 $0xD0000000, s2;
	s6 =	simm.s32 $0x108;
	_ =	swait.ge @!p0 [sflag:s8], $0x0  }
0x24: {  	s3 =	sadd.s32 $0x88, s3;
	s6 =	simm.s32 @!p1 $0x1082;
	[sflag:s4] =	ssyncset.s32 $0xFFFFF086  }
0x25: {  	[simem:s6], [sflag:s4] =	dma.local [hbm:s3], $0xF7A  }
0x26: {  	[smem:$0x3FA0] =	sst s1;
	(tag) =	ssettag s2;
	_ =	strace s9  }
0x27: {  	s1 =	sld [smem:$0x3FB0]  }
0x28: {  	s2 =	sld [smem:$0x3FB1]  }
0x29: {  	s4 =	sld [smem:$0x3FB3]  }
0x2a: {  	p0 =	seq.s32 s5, $0x0;
	s5 =	sld [smem:$0x3FB4]  }
0x2b: {  	s6 =	sld [smem:$0x3FB5]  }
0x2c: {  	s7 =	sld [smem:$0x3FB6]  }
0x2d: {  	s3 =	simm.s32 $0x108;
	s8 =	sld [smem:$0x3FB7]  }
0x2e: {  	s3 =	simm.s32 @!p0 $0x1082;
	s9 =	sld [smem:$0x3FB8]  }
0x2f: {  	lr =	sadd.s32 s0, s3;
	s0 =	sld [smem:$0x3FAF]  }
0x30: {  	s3 =	sld [smem:$0x3FB2]  }
0x31: {  	[smem:$0x3FBB] =	sst s10  }
0x32: {  	s10 =	sld [smem:$0x3FB9];
	_ =	sdelay $0x3  }
0x33: {  	p0 =	seq.s32 s10, $0x1;
	s10 =	sld [smem:$0x3FBB];
	_ =	sdelay $0x3  }
0x34: {  	[smem:$0x3FBB] =	sst s10  }
0x35: {  	s10 =	sld [smem:$0x3FBA];
	_ =	sdelay $0x3  }
0x36: {  	p1 =	seq.s32 s10, $0x1;
	s10 =	sld [smem:$0x3FBB];
	_ =	sdelay $0x3  }
0x37: {  	[smem:$0x3FBB] =	sst s10  }
0x38: {  	s10 =	sld [smem:$0x3FBC]  }
0x39: {  	_ = 	snop;
	(pc) =	sbr.ind lr, $3  }
0x3a: {  	_ = 	snop  }
0x3b: {  	_ = 	snop  }
0x3c: {  	p2 =	seq.s32 s10, $0x1;
	s10 =	sld [smem:$0x3FBB]  }
0x3d: {  	_ =	shalt  }
0x3e: {  	_ =	shalt  }
0x3f: {  	_ =	shalt  }
0x40: {  	_ =	shalt  }
0x41: {  	_ =	shalt  }
0x42: {  	_ =	shalt  }
0x43: {  	_ =	shalt  }
0x44: {  	_ =	shalt  }
0x45: {  	_ =	shalt  }
0x46: {  	_ =	shalt  }
0x47: {  	_ =	shalt  }
0x48: {  	_ =	shalt  }
0x49: {  	_ =	shalt  }
0x4a: {  	_ =	shalt  }
0x4b: {  	_ =	shalt  }
0x4c: {  	_ =	shalt  }
0x4d: {  	_ =	shalt  }
0x4e: {  	_ =	shalt  }
0x4f: {  	_ =	shalt  }
0x50: {  	_ =	shalt  }
0x51: {  	_ =	shalt  }
0x52: {  	_ =	shalt  }
0x53: {  	_ =	shalt  }
0x54: {  	_ =	shalt  }
0x55: {  	_ =	shalt  }
0x56: {  	_ =	shalt  }
0x57: {  	_ =	shalt  }
0x58: {  	_ =	shalt  }
0x59: {  	_ =	shalt  }
0x5a: {  	_ =	shalt  }
0x5b: {  	_ =	shalt  }
0x5c: {  	_ =	shalt  }
0x5d: {  	_ =	shalt  }
0x5e: {  	_ =	shalt  }
0x5f: {  	_ =	shalt  }
0x60: {  	_ =	shalt  }
0x61: {  	_ =	shalt  }
0x62: {  	_ =	shalt  }
0x63: {  	_ =	shalt  }
0x64: {  	_ =	shalt  }
0x65: {  	_ =	shalt  }
0x66: {  	_ =	shalt  }
0x67: {  	_ =	shalt  }
0x68: {  	_ =	shalt  }
0x69: {  	_ =	shalt  }
0x6a: {  	_ =	shalt  }
0x6b: {  	_ =	shalt  }
0x6c: {  	_ =	shalt  }
0x6d: {  	_ =	shalt  }
0x6e: {  	_ =	shalt  }
0x6f: {  	_ =	shalt  }
0x70: {  	_ =	shalt  }
0x71: {  	_ =	shalt  }
0x72: {  	_ =	shalt  }
0x73: {  	_ =	shalt  }
0x74: {  	_ =	shalt  }
0x75: {  	_ =	shalt  }
0x76: {  	_ =	shalt  }
0x77: {  	_ =	shalt  }
0x78: {  	_ =	shalt  }
0x79: {  	_ =	shalt  }
0x7a: {  	_ =	shalt  }
0x7b: {  	_ =	shalt  }
0x7c: {  	_ =	shalt  }
0x7d: {  	_ =	shalt  }
0x7e: {  	_ =	shalt  }
0x7f: {  	_ =	shalt  }
0x80: {  	_ =	shalt  }
0x81: {  	_ =	shalt  }
0x82: {  	_ =	shalt  }
0x83: {  	_ =	shalt  }
0x84: {  	_ =	shalt  }
0x85: {  	_ =	shalt  }
0x86: {  	_ =	shalt  }
0x87: {  	_ =	shalt  }
.Lfunc_end0:
.L_simem_size_0:
called_computation_lowered:
.L_overlay_start_0:
0x88: {  	s2 =	sld [smem:$0x3FD9]  }
0x89: {  	s3 =	sld [smem:$0x3FFE];
	_ =	sdelay $0x1  }
0x8a: {  	s1 =	srdreg.scid  }
0x8b: {  	s0 =	sand.u32 $0x1, s1  }
0x8c: {  	s17 =	sshll.u32 s0, $0xA;
	s2 =	sadd.s32 s3, s2  }
0x8d: {  	s2 =	sadd.s32 s2, s17  }
0x8e: {  	[smem:$0x3FC7] =	sst s2  }
0x8f: {  	_ = 	snop  }
0x90: {  	s2 =	sld [smem:$0x3FD0];
	(tm) =	ssettm $0x1  }
0x91: {  	s18 =	sld [smem:$0x3FFB];
	_ =	sdelay $0x3  }
0x92: {  	_ =	strace s18  }
0x93: {  	s3 =	sld [smem:$0x3FFC];
	_ =	sdelay $0x3  }
0x94: {  	_ =	strace s3  }
0x95: {  	s3 =	sld [smem:$0x3FFD];
	_ =	sdelay $0x3  }
0x96: {  	_ =	strace s3  }
0x97: {  	_ =	strace $0x8FFFFFFF  }
0x98: {  	s19 =	sld [smem:$0x3FDB];
	_ =	sdelay $0x1  }
0x99: {  	s4 =	simm.s32 $_scs_section_size  }
0x9a: {  	s5 =	simm.s32 $_size__tile_overlayer_lowered;
	s6 =	simm.s32 $_tile_overlayer_lowered  }
0x9b: {  	s22 =	simm.s32 $0x1BFF;
	s21 =	sshll.u32 s6, $0x1;
	s3 =	sadd.s32 s4, s19  }
0x9c: {  	s7 =	simm.s32 $0x0;
	s20 =	sshll.u32 s5, $0x1;
	s5 =	sadd.s32 s21, s3  }
0x9d: {  	[timem:s7], [sflag:s22] =	dma.local [hbm:s5], s20  }
0x9e: {  	_ =	swait.ge [sflag:s22], s20  }
0x9f: {  	s4 =	ssub.s32 $0x0, s20;
	[sflag:s22] =	ssyncset.done $0x0  }
0xa0: {  	[sflag:s22] =	ssyncadd.s32 s4;
	_ =	sdelay $0x1  }
0xa1: {  	s23 =	simm.s32 $0x1B8B  }
0xa2: {  	_ =	swait.ge [sflag:s23], $0x1  }
0xa3: {  	[sflag:s23] =	ssyncset.done $0x0  }
0xa4: {  	s25 =	simm.s32 $0x1B8E;
	s24 =	sld [smem:$0x3FFE];
	[sflag:s23] =	ssyncadd.s32 $0xFFFFFFFF  }
0xa5: {  	s26 =	simm.s32 $execute0_lowered;
	[smem:$0x3FD2] =	sst s25  }
0xa6: {  	s5 =	sshll.u32 s26, $0x1;
	_ =	strace $0x80000046;
	[dreg:$0x1] =	wrdreg $0xFFFFFFFF  }
0xa7: {  	s28 =	simm.s32 $_size_execute0_lowered;
	s3 =	sadd.s32 s3, s5;
	[dreg:$0x0] =	wrdreg $0x0  }
0xa8: {  	s5 =	sshll.u32 s28, $0x1;
	[dreg:$0x2] =	wrdreg s3  }
0xa9: {  	[dreg:$0x3] =	wrdreg s5  }
0xaa: {  	[dreg:$0x4] =	wrdreg $0xC0  }
0xab: {  	_ =	task [dreg:s7], $0x5FFFF  }
0xac: {  	[dreg:$0x1] =	wrdreg $0xFFFFFFFF  }
0xad: {  	[dreg:$0x0] =	wrdreg $0x60  }
0xae: {  	[dreg:$0x2] =	wrdreg s2  }
0xaf: {  	[dreg:$0x3] =	wrdreg s24  }
0xb0: {  	[dreg:$0x4] =	wrdreg $0x9  }
0xb1: {  	_ =	task.clear_ibuf [dreg:s7], $0x5FFFF;
	_ =	strace $0x90000046  }
0xb2: {  	s29 =	simm.s32 $0x9;
	_ =	strace $0x80000048  }
0xb3: {  	_ =	swait.ge [sflag:s29], $0x1  }
0xb4: {  	[sflag:s29] =	ssyncadd.s32 $0xFFFFFFFF  }
0xb5: {  	_ =	strace $0x90000048  }
0xb6: {  	_ =	sfence  }
0xb7: {  	s30 =	sld [smem:$0x0];
	_ =	sdelay $0x2  }
0xb8: {  	s31 =	sshll.u32 s1, $0xD;
	s1 =	sshrl.u32 s1, $0x2  }
0xb9: {  	s3 =	sand.u32 $0x4000, s31;
	s1 =	sadd.s32 s1, s30  }
0xba: {  	s0 =	sor.u32 s3, s0;
	s1 =	sshll.u32 s1, $0x11  }
0xbb: {  	s0 =	sor.u32 s1, s0  }
0xbc: {  	s0 =	sadd.s32 $0x8F2B, s0  }
0xbd: {  	[sflag:s0] =	ssyncadd.remote.s32 $0x1  }
0xbe: {  	_ =	sfence.sel $0xFFFF  }
0xbf: {  	[dreg:$0x0] =	wrdreg $0xFFFFFFFF;
	(pc) =	sbr.abs _section_cstart, $3  }
0xc0: {  	[dreg:$0x1] =	wrdreg $0xFFFFFFFF  }
0xc1: {  	_ =	task.clear_ibuf [dreg:s7], $0x2FFFF;
	_ =	strace $0x9FFFFFFF  }
0xc2: {  	(tm) =	ssettm $0x7FFFFFFF  }
0xc3: {  	_ =	shalt  }
tec
execute0_lowered:
.L_overlay_start_1:
0x0: {  	(tag) =	ssettag $0x1  }
0x1: {  	s1 =	srdreg.scid  }
0x2: {  	s2 =	sand.u32 $0x1, s1  }
0x3: {  	s6 =	ssub.s32 $0x2, s2  }
0x4: {  	s7 =	sshrl.u32 s6, $0x1  }
0x5: {  	s6 =	ssub.s32 s6, s7  }
0x6: {  	s0 =	stileid.u32;
	s6 =	smax.u32 s6, $0x1  }
0x7: {  	s3 =	rddreg [dreg:$0x0];
	s5 =	sshll.u32 s0, $0x1;
	p1 =	sne.s32 s6, $0x1  }
.Ltmp0:
0x8: {  	s4 =	rddreg [dreg:$0x1];
	s5 =	sor.u32 s2, s5;
	(pc) =	sbr.rel @!p1 .LBB2_3-.Ltmp0, $4  }
0x9: {  	s1 =	rddreg [dreg:$0x2];
	s2 =	simm.s32 $0x0;
	s5 =	smul.u32 $0x30, s5  }
0xa: {  	p0 =	por $0x0, $0x0;
	[smem:$0x7FF] =	sst s2  }
0xb: {  	_ =	strace $0x80000047;
	s4 =	sadd.s32 s5, s4;
	s5 =	sadd.s32 s3, s5  }
0xc: {  	s3 =	simm.s32 $0x1;
	s4 =	sadd.s32 $0x400, s4;
	s6 =	sadd.s32 $0xFFFFFFFF, s6  }
0xd: {  	[tilespmem:s2], [sflag:$0x1] =	stream.linear.gather [hbm4b:s5+s2], $0x180, $0x38;
	[tilespmem:$0x180] =	vst v63  }
0xe: {  	_ =	swait.ge [sflag:s3], $0x180  }
0xf: {  	[sflag:s3] =	ssyncset.done $0x0  }
0x10: {  	[sflag:s3] =	ssyncadd.s32 $0xFFFFFE80  }
0x11: {  	v0 =	vld [tilespmem:$0xB0]  }
0x12: {  	v1 =	vld [tilespmem:$0xA0]  }
0x13: {  	v2 =	vld [tilespmem:$0x0]  }
0x14: {  	v3 =	vld [tilespmem:$0x150]  }
0x15: {  	v4 =	vld [tilespmem:$0x90]  }
0x16: {  	v5 =	vld [tilespmem:$0xD0]  }
0x17: {  	v6 =	vld [tilespmem:$0xE0];
	v1 =	vmul.f32 $3.200000000e+01, v1  }
0x18: {  	v7 =	vld [tilespmem:$0x10];
	v2 =	vmul.f32 $3.200000000e+01, v2  }
0x19: {  	v8 =	vld [tilespmem:$0x20];
	v0 =	vmul.f32 $3.200000000e+01, v0;
	v1 =	vadd.f32 $6.400000000e+01, v1  }
0x1a: {  	v9 =	vld [tilespmem:$0xF0];
	v3 =	vmul.f32 $3.200000000e+01, v3;
	v2 =	vadd.f32 $6.400000000e+01, v2  }
0x1b: {  	v10 =	vld [tilespmem:$0x120];
	v4 =	vmul.f32 $3.200000000e+01, v4;
	v0 =	vadd.f32 $6.400000000e+01, v0;
	[tilespmem:$0xA0] =	vst v1  }
0x1c: {  	v5 =	vmul.f32 $3.200000000e+01, v5;
	v6 =	vmul.f32 $3.200000000e+01, v6;
	v3 =	vadd.f32 $6.400000000e+01, v3;
	v1 =	vld [tilespmem:$0x100];
	[tilespmem:$0x0] =	vst v2  }
0x1d: {  	v7 =	vmul.f32 $3.200000000e+01, v7;
	v2 =	vadd.f32 $6.400000000e+01, v4;
	v4 =	vld [tilespmem:$0x110];
	[tilespmem:$0xB0] =	vst v0  }
0x1e: {  	v6 =	vadd.f32 $6.400000000e+01, v6;
	v0 =	vadd.f32 $6.400000000e+01, v5;
	v5 =	vmul.f32 $3.200000000e+01, v8;
	v8 =	vld [tilespmem:$0x30];
	[tilespmem:$0x150] =	vst v3  }
0x1f: {  	[tilespmem:$0x90] =	vst v2;
	v2 =	vadd.f32 $6.400000000e+01, v7;
	v7 =	vmul.f32 $3.200000000e+01, v9;
	v9 =	vld [tilespmem:$0x130]  }
0x20: {  	[tilespmem:$0xE0] =	vst v6;
	v3 =	vadd.f32 $6.400000000e+01, v5;
	v5 =	vld [tilespmem:$0xC0]  }
0x21: {  	v11 =	vld [tilespmem:$0x160];
	[tilespmem:$0xD0] =	vst v0;
	v0 =	vmul.f32 $3.200000000e+01, v1  }
0x22: {  	p1 =	sne.s32 s6, $0x1;
	[tilespmem:$0x10] =	vst v2;
	v1 =	vadd.f32 $6.400000000e+01, v7;
	v2 =	vmul.f32 $3.200000000e+01, v4;
	v4 =	vld [tilespmem:$0x140]  }
.Ltmp1:
0x23: {  	[tilespmem:$0x20] =	vst v3;
	v7 =	vmul.f32 $3.200000000e+01, v8;
	v3 =	vadd.f32 $6.400000000e+01, v0;
	v0 =	vld [tilespmem:$0x40];
	(pc) =	sbr.rel @!p1 .LBB2_3-.Ltmp1, $4  }
0x24: {  	v8 =	vmul.f32 $3.200000000e+01, v10;
	[tilespmem:$0xF0] =	vst v1;
	v2 =	vadd.f32 $6.400000000e+01, v2;
	v1 =	vld [tilespmem:$0x60];
	v9 =	vmul.f32 $3.200000000e+01, v9  }
0x25: {  	v10 =	vadd.f32 $6.400000000e+01, v7;
	v12 =	vmul.f32 $3.200000000e+01, v5;
	[tilespmem:$0x100] =	vst v3;
	v3 =	vld [tilespmem:$0x50]  }
0x26: {  	v5 =	vld [tilespmem:$0x170];
	[tilespmem:$0x110] =	vst v2;
	v2 =	vadd.f32 $6.400000000e+01, v8;
	v7 =	vadd.f32 $6.400000000e+01, v9  }
0x27: {  	s6 =	sadd.s32 $0xFFFFFFFF, s6;
	p0 =	por $0x1, $0x1;
	v6 =	vld [tilespmem:$0x70];
	[tilespmem:$0x30] =	vst v10;
	v8 =	vadd.f32 $6.400000000e+01, v12;
	v9 =	vmul.f32 $3.200000000e+01, v11;
	v4 =	vmul.f32 $3.200000000e+01, v4  }
.LBB2_2:
0x28: {  	p1 =	sne.s32 s6, $0x1;
	s6 =	sadd.s32 $0xFFFFFFFF, s6;
	v0 =	vmul.f32 $3.200000000e+01, v0;
	v10 =	vld [tilespmem:$0x80];
	[tilespmem:$0x130] =	vst v7  }
0x29: {  	v1 =	vmul.f32 $3.200000000e+01, v1;
	[tilespmem:$0xC0] =	vst v8;
	v7 =	vadd.f32 $6.400000000e+01, v9  }
0x2a: {  	v0 =	vadd.f32 $6.400000000e+01, v0;
	v3 =	vmul.f32 $3.200000000e+01, v3;
	[tilespmem:$0x120] =	vst v2;
	v2 =	vadd.f32 $6.400000000e+01, v4  }
0x2b: {  	v1 =	vadd.f32 $6.400000000e+01, v1;
	[tilespmem:$0x160] =	vst v7;
	v4 =	vmul.f32 $3.200000000e+01, v5  }
0x2c: {  	[tilespmem:$0x40] =	vst v0;
	v0 =	vadd.f32 $6.400000000e+01, v3;
	v3 =	vmul.f32 $3.200000000e+01, v6  }
0x2d: {  	[tilespmem:$0x60] =	vst v1;
	v1 =	vmul.f32 $3.200000000e+01, v10;
	v4 =	vadd.f32 $6.400000000e+01, v4  }
0x2e: {  	[tilespmem:$0x50] =	vst v0;
	v0 =	vadd.f32 $6.400000000e+01, v3  }
0x2f: {  	v1 =	vadd.f32 $6.400000000e+01, v1;
	[tilespmem:$0x170] =	vst v4  }
0x30: {  	[tilespmem:$0x70] =	vst v0  }
0x31: {  	[tilespmem:$0x80] =	vst v1  }
0x32: {  	[tilespmem:$0x140] =	vst v2  }
0x33: {  	[hbm4b:s4+s2] =	stream.linear.scatter [tilespmem:s2], [sflag:$0x1], $0x180, $0x38;
	[tilespmem:$0x180] =	vst v63  }
0x34: {  	_ =	swait.ge [sflag:s3], $0x180  }
0x35: {  	[sflag:s3] =	ssyncset.done $0x0  }
0x36: {  	[sflag:s3] =	ssyncadd.s32 $0xFFFFFE80  }
0x37: {  	[tilespmem:s2], [sflag:$0x1] =	stream.linear.gather [hbm4b:s5+s2], $0x180, $0x38;
	[tilespmem:$0x180] =	vst v63  }
0x38: {  	_ =	swait.ge [sflag:s3], $0x180  }
0x39: {  	[sflag:s3] =	ssyncset.done $0x0  }
0x3a: {  	[sflag:s3] =	ssyncadd.s32 $0xFFFFFE80  }
0x3b: {  	v0 =	vld [tilespmem:$0xB0]  }
0x3c: {  	v1 =	vld [tilespmem:$0xA0]  }
0x3d: {  	v2 =	vld [tilespmem:$0x0]  }
0x3e: {  	v3 =	vld [tilespmem:$0x150]  }
0x3f: {  	v4 =	vld [tilespmem:$0x90]  }
0x40: {  	v5 =	vld [tilespmem:$0xD0]  }
0x41: {  	v1 =	vmul.f32 $3.200000000e+01, v1;
	v6 =	vld [tilespmem:$0xE0]  }
0x42: {  	v0 =	vmul.f32 $3.200000000e+01, v0;
	v2 =	vmul.f32 $3.200000000e+01, v2;
	v7 =	vld [tilespmem:$0x10]  }
0x43: {  	v8 =	vld [tilespmem:$0x20];
	v1 =	vadd.f32 $6.400000000e+01, v1;
	v3 =	vmul.f32 $3.200000000e+01, v3  }
0x44: {  	v0 =	vadd.f32 $6.400000000e+01, v0;
	v2 =	vadd.f32 $6.400000000e+01, v2;
	v4 =	vmul.f32 $3.200000000e+01, v4;
	v9 =	vld [tilespmem:$0xF0]  }
0x45: {  	[tilespmem:$0xA0] =	vst v1;
	v1 =	vmul.f32 $3.200000000e+01, v5;
	v5 =	vld [tilespmem:$0x100];
	v3 =	vadd.f32 $6.400000000e+01, v3  }
0x46: {  	[tilespmem:$0x0] =	vst v2;
	v2 =	vadd.f32 $6.400000000e+01, v4;
	v4 =	vmul.f32 $3.200000000e+01, v6;
	v6 =	vld [tilespmem:$0x110]  }
0x47: {  	v7 =	vmul.f32 $3.200000000e+01, v7;
	[tilespmem:$0xB0] =	vst v0;
	v0 =	vadd.f32 $6.400000000e+01, v1;
	v1 =	vld [tilespmem:$0x120]  }
0x48: {  	v8 =	vmul.f32 $3.200000000e+01, v8;
	v10 =	vld [tilespmem:$0x30];
	[tilespmem:$0x90] =	vst v2;
	v4 =	vadd.f32 $6.400000000e+01, v4  }
0x49: {  	v2 =	vadd.f32 $6.400000000e+01, v7;
	v7 =	vmul.f32 $3.200000000e+01, v9;
	v9 =	vld [tilespmem:$0x130];
	[tilespmem:$0x150] =	vst v3  }
0x4a: {  	v3 =	vadd.f32 $6.400000000e+01, v8;
	v8 =	vld [tilespmem:$0xC0];
	[tilespmem:$0xD0] =	vst v0;
	v0 =	vmul.f32 $3.200000000e+01, v5  }
0x4b: {  	[tilespmem:$0x10] =	vst v2;
	v2 =	vadd.f32 $6.400000000e+01, v7;
	v5 =	vmul.f32 $3.200000000e+01, v6;
	v6 =	vld [tilespmem:$0x140]  }
0x4c: {  	[tilespmem:$0x20] =	vst v3;
	v3 =	vadd.f32 $6.400000000e+01, v0;
	v7 =	vmul.f32 $3.200000000e+01, v1;
	v11 =	vld [tilespmem:$0x160]  }
.Ltmp2:
0x4d: {  	v10 =	vmul.f32 $3.200000000e+01, v10;
	v0 =	vld [tilespmem:$0x40];
	[tilespmem:$0xF0] =	vst v2;
	v5 =	vadd.f32 $6.400000000e+01, v5;
	(pc) =	sbr.rel @p1 .LBB2_2-.Ltmp2, $4  }
0x4e: {  	v1 =	vld [tilespmem:$0x60];
	[tilespmem:$0x100] =	vst v3;
	v2 =	vadd.f32 $6.400000000e+01, v7;
	v7 =	vmul.f32 $3.200000000e+01, v9  }
0x4f: {  	v9 =	vadd.f32 $6.400000000e+01, v10;
	v3 =	vld [tilespmem:$0x50];
	v8 =	vmul.f32 $3.200000000e+01, v8;
	[tilespmem:$0x110] =	vst v5  }
0x50: {  	[tilespmem:$0xE0] =	vst v4;
	v7 =	vadd.f32 $6.400000000e+01, v7;
	v4 =	vmul.f32 $3.200000000e+01, v6;
	v5 =	vld [tilespmem:$0x170]  }
0x51: {  	[tilespmem:$0x30] =	vst v9;
	v6 =	vld [tilespmem:$0x70];
	v8 =	vadd.f32 $6.400000000e+01, v8;
	v9 =	vmul.f32 $3.200000000e+01, v11  }
.LBB2_3:
0x52: {  	v0 =	vmul.f32 @p0 $3.200000000e+01, v0;
	v10 =	vld @p0 [tilespmem:$0x80];
	[tilespmem:$0x130] =	vst @p0 v7  }
0x53: {  	[tilespmem:$0x120] =	vst @p0 v2;
	v1 =	vmul.f32 @p0 $3.200000000e+01, v1;
	v7 =	vadd.f32 @p0 $6.400000000e+01, v9  }
0x54: {  	[tilespmem:$0xC0] =	vst @p0 v8;
	v0 =	vadd.f32 @p0 $6.400000000e+01, v0;
	v3 =	vmul.f32 @p0 $3.200000000e+01, v3  }
0x55: {  	v1 =	vadd.f32 @p0 $6.400000000e+01, v1;
	[tilespmem:$0x160] =	vst @p0 v7;
	v2 =	vmul.f32 @p0 $3.200000000e+01, v5  }
0x56: {  	[tilespmem:$0x40] =	vst @p0 v0;
	v0 =	vadd.f32 @p0 $6.400000000e+01, v3;
	v3 =	vmul.f32 @p0 $3.200000000e+01, v6  }
0x57: {  	[tilespmem:$0x60] =	vst @p0 v1;
	v1 =	vmul.f32 @p0 $3.200000000e+01, v10;
	v2 =	vadd.f32 @p0 $6.400000000e+01, v2  }
0x58: {  	[tilespmem:$0x50] =	vst @p0 v0;
	v0 =	vadd.f32 @p0 $6.400000000e+01, v3  }
0x59: {  	v1 =	vadd.f32 @p0 $6.400000000e+01, v1;
	[tilespmem:$0x170] =	vst @p0 v2  }
0x5a: {  	v2 =	vadd.f32 @p0 $6.400000000e+01, v4;
	[tilespmem:$0x70] =	vst @p0 v0  }
0x5b: {  	[tilespmem:$0x80] =	vst @p0 v1  }
0x5c: {  	[tilespmem:$0x140] =	vst @p0 v2  }
0x5d: {  	[hbm4b:s4+s2] =	stream.linear.scatter @p0 [tilespmem:s2], [sflag:$0x1], $0x180, $0x38;
	[tilespmem:$0x180] =	vst v63  }
0x5e: {  	_ =	swait.ge @p0 [sflag:s3], $0x180  }
0x5f: {  	[sflag:s3] =	ssyncset.done @p0 $0x0  }
0x60: {  	[sflag:s3] =	ssyncadd.s32 @p0 $0xFFFFFE80  }
0x61: {  	[tilespmem:s2], [sflag:$0x1] =	stream.linear.gather [hbm4b:s5+s2], $0x180, $0x38;
	[tilespmem:$0x180] =	vst v63  }
0x62: {  	_ =	swait.ge [sflag:s3], $0x180  }
0x63: {  	[sflag:s3] =	ssyncset.done $0x0  }
0x64: {  	[sflag:s3] =	ssyncadd.s32 $0xFFFFFE80  }
0x65: {  	v22 =	vld [tilespmem:$0xA0]  }
0x66: {  	v23 =	vld [tilespmem:$0x0]  }
0x67: {  	v24 =	vld [tilespmem:$0xB0]  }
0x68: {  	v25 =	vld [tilespmem:$0x90]  }
0x69: {  	v26 =	vld [tilespmem:$0x150]  }
0x6a: {  	v27 =	vld [tilespmem:$0xD0];
	v0 =	vmul.f32 $3.200000000e+01, v22  }
0x6b: {  	v28 =	vld [tilespmem:$0x10];
	v1 =	vmul.f32 $3.200000000e+01, v23  }
0x6c: {  	v29 =	vld [tilespmem:$0x20];
	v2 =	vmul.f32 $3.200000000e+01, v24;
	v0 =	vadd.f32 $6.400000000e+01, v0  }
0x6d: {  	v30 =	vld [tilespmem:$0xF0];
	v3 =	vmul.f32 $3.200000000e+01, v25;
	v1 =	vadd.f32 $6.400000000e+01, v1  }
0x6e: {  	v34 =	vld [tilespmem:$0xE0];
	v4 =	vmul.f32 $3.200000000e+01, v26;
	v2 =	vadd.f32 $6.400000000e+01, v2;
	[tilespmem:$0xA0] =	vst v0  }
0x6f: {  	v37 =	vld [tilespmem:$0x30];
	v5 =	vmul.f32 $3.200000000e+01, v27;
	v32 =	vadd.f32 $6.400000000e+01, v3;
	[tilespmem:$0x0] =	vst v1  }
0x70: {  	v47 =	vld [tilespmem:$0x40];
	v6 =	vmul.f32 $3.200000000e+01, v28;
	v4 =	vadd.f32 $6.400000000e+01, v4;
	[tilespmem:$0xB0] =	vst v2  }
0x71: {  	v52 =	vld [tilespmem:$0x50];
	v36 =	vmul.f32 $3.200000000e+01, v29;
	v35 =	vadd.f32 $6.400000000e+01, v5;
	[tilespmem:$0x90] =	vst v32  }
0x72: {  	v33 =	vld [tilespmem:$0x110];
	v39 =	vmul.f32 $3.200000000e+01, v30;
	v38 =	vadd.f32 $6.400000000e+01, v6;
	[tilespmem:$0x150] =	vst v4  }
0x73: {  	v42 =	vld [tilespmem:$0xC0];
	v45 =	vmul.f32 $3.200000000e+01, v34;
	v41 =	vadd.f32 $6.400000000e+01, v36;
	[tilespmem:$0xD0] =	vst v35  }
0x74: {  	v43 =	vld [tilespmem:$0x120];
	v7 =	vmul.f32 $3.200000000e+01, v37;
	v44 =	vadd.f32 $6.400000000e+01, v39;
	[tilespmem:$0x10] =	vst v38  }
0x75: {  	v50 =	vld [tilespmem:$0x60];
	v56 =	vmul.f32 $3.200000000e+01, v47;
	v49 =	vadd.f32 $6.400000000e+01, v45;
	[tilespmem:$0x20] =	vst v41  }
0x76: {  	v31 =	vld [tilespmem:$0x100];
	v60 =	vmul.f32 $3.200000000e+01, v52;
	v7 =	vadd.f32 $6.400000000e+01, v7;
	[tilespmem:$0xF0] =	vst v44  }
0x77: {  	v46 =	vld [tilespmem:$0x160];
	v3 =	vmul.f32 $3.200000000e+01, v33;
	v59 =	vadd.f32 $6.400000000e+01, v56;
	[tilespmem:$0xE0] =	vst v49  }
0x78: {  	v40 =	vld [tilespmem:$0x130];
	v5 =	vmul.f32 $3.200000000e+01, v42;
	v62 =	vadd.f32 $6.400000000e+01, v60;
	[tilespmem:$0x30] =	vst v7  }
0x79: {  	v54 =	vld [tilespmem:$0x170];
	v53 =	vmul.f32 $3.200000000e+01, v43;
	v48 =	vadd.f32 $6.400000000e+01, v3;
	[tilespmem:$0x40] =	vst v59  }
0x7a: {  	v55 =	vld [tilespmem:$0x70];
	v6 =	vmul.f32 $3.200000000e+01, v50;
	v5 =	vadd.f32 $6.400000000e+01, v5;
	[tilespmem:$0x50] =	vst v62  }
0x7b: {  	v57 =	vld [tilespmem:$0x80];
	v0 =	vmul.f32 $3.200000000e+01, v31;
	v1 =	vadd.f32 $6.400000000e+01, v53;
	[tilespmem:$0x110] =	vst v48  }
0x7c: {  	v58 =	vld [tilespmem:$0x140];
	v4 =	vmul.f32 $3.200000000e+01, v46;
	v61 =	vadd.f32 $6.400000000e+01, v6;
	[tilespmem:$0xC0] =	vst v5  }
0x7d: {  	v51 =	vmul.f32 $3.200000000e+01, v40;
	v0 =	vadd.f32 $6.400000000e+01, v0;
	[tilespmem:$0x120] =	vst v1  }
0x7e: {  	v2 =	vmul.f32 $3.200000000e+01, v54;
	v4 =	vadd.f32 $6.400000000e+01, v4;
	[tilespmem:$0x60] =	vst v61  }
0x7f: {  	v3 =	vmul.f32 $3.200000000e+01, v55;
	[tilespmem:$0x100] =	vst v0;
	v0 =	vadd.f32 $6.400000000e+01, v51  }
0x80: {  	v63 =	vmul.f32 $3.200000000e+01, v57;
	v2 =	vadd.f32 $6.400000000e+01, v2;
	[tilespmem:$0x160] =	vst v4  }
0x81: {  	v3 =	vadd.f32 $6.400000000e+01, v3;
	[tilespmem:$0x130] =	vst v0;
	v0 =	vmul.f32 $3.200000000e+01, v58  }
0x82: {  	v1 =	vadd.f32 $6.400000000e+01, v63;
	[tilespmem:$0x170] =	vst v2  }
0x83: {  	[tilespmem:$0x70] =	vst v3;
	v0 =	vadd.f32 $6.400000000e+01, v0  }
0x84: {  	[tilespmem:$0x80] =	vst v1  }
0x85: {  	[tilespmem:$0x140] =	vst v0  }
0x86: {  	[hbm4b:s4+s2] =	stream.linear.scatter [tilespmem:s2], [sflag:$0x1], $0x180, $0x38;
	[tilespmem:$0x180] =	vst v63  }
0x87: {  	_ =	swait.ge [sflag:s3], $0x180  }
0x88: {  	[sflag:s3] =	ssyncset.done $0x0  }
0x89: {  	[sflag:s3] =	ssyncadd.s32 $0xFFFFFE80  }
0x8a: {  	_ =	sfence.sel $0x180000  }
0x8b: {  	[bflag:$0x0] =	sbarrier.arrive $0xFFFF  }
0x8c: {  	p0 =	sne.s32 s0, $0x0;
	_ =	strace $0x90000047  }
0x8d: {  	s0 =	sadd.s32 @!p0 $0x100000, s1;
	[bflag:$0x2] =	sbarrier.arrive $0xFFFF  }
0x8e: {  	[sflag:s0] =	ssyncadd.tile.s32 @!p0 $0x1;
	_ =	shalt  }
.Lfunc_end2:
_tile_overlayer_lowered:
.L_overlay_start_2:
0x8f: {  	(tag) =	ssettag $0x2  }
0x90: {  	s0 =	rddreg [dreg:$0x0];
	s2 =	stileid.u32  }
0x91: {  	s1 =	rddreg [dreg:$0x1];
	p0 =	sne.s32 s2, $0x0  }
0x92: {  	s3 =	rddreg [dreg:$0x2];
	[bflag:$0x3] =	sbarrier.arrive $0xFFFF;
	s2 =	simm.s32 @!p0 $0x1C01  }
0x93: {  	[timem:s3], [sflag:s2] =	dma.local @!p0 [hbm:s0], s1  }
0x94: {  	s0 =	simm.s32 @!p0 $0x1  }
0x95: {  	_ =	swait.ge @!p0 [sflag:s0], s1  }
0x96: {  	s1 =	ssub.s32 @!p0 $0x0, s1;
	[sflag:s0] =	ssyncset.done @!p0 $0x0  }
0x97: {  	[sflag:s0] =	ssyncadd.s32 @!p0 s1  }
0x98: {  	[bflag:$0x3] =	sbarrier.arrive $0xFFFF  }
0x99: {  	_ =	shalt  }

</sc_bundles>
